<compile_context>
chip_gen: v7x
topology: tpu7x:2x2x1
jax: 0.10.2.dev20260603
libtpu: 0.0.44.dev20260713+nightly
codegen_flags: <defaults>
</compile_context>

<pallas_src>
import functools

import jax
import jax.numpy as jnp
from jax import lax
from jax.experimental import pallas as pl
from jax.experimental.pallas import tpu as pltpu
from jax.experimental.pallas import tpu_sc as plsc

NUM_ENTS = 1_000_000
LATENT_DIM = 32

_NUM_CORES = 2
_NUM_SUBCORES = 16
_NUM_WORKERS = _NUM_CORES * _NUM_SUBCORES

_NBUF = 2
_CHUNK_COLS = 1280
_N_FULL = NUM_ENTS // _CHUNK_COLS
_FULL_ROUNDS = _N_FULL // _NUM_WORKERS
_N_EXTRA = _N_FULL % _NUM_WORKERS
_LEFT = NUM_ENTS - _N_FULL * _CHUNK_COLS
_TAIL_A_OFF = _N_FULL * _CHUNK_COLS
_TAIL_A_COLS = (_LEFT // 128) * 128
_TAIL_B_OFF = _TAIL_A_OFF + _TAIL_A_COLS
_TAIL_B_COLS = NUM_ENTS - _TAIL_B_OFF
assert _FULL_ROUNDS % _NBUF == 0


@functools.partial(
    pl.kernel,
    mesh=plsc.VectorSubcoreMesh(core_axis_name="c", subcore_axis_name="s"),
    out_type=jax.ShapeDtypeStruct((LATENT_DIM, NUM_ENTS), jnp.float32),
    compiler_params=pltpu.CompilerParams(use_tc_tiling_on_sc=True),
    scratch_types=[
        pltpu.VMEM((LATENT_DIM, _CHUNK_COLS), jnp.float32),
        pltpu.VMEM((LATENT_DIM, _CHUNK_COLS), jnp.float32),
        pltpu.VMEM((LATENT_DIM, _CHUNK_COLS), jnp.float32),
        pltpu.VMEM((LATENT_DIM, _TAIL_B_COLS), jnp.float32),
        pltpu.SemaphoreType.DMA,
        pltpu.SemaphoreType.DMA,
        pltpu.SemaphoreType.DMA,
        pltpu.SemaphoreType.DMA,
        pltpu.SemaphoreType.DMA,
        pltpu.SemaphoreType.DMA,
    ],
)
def _sc_stream_copy(tab_hbm, out_hbm, buf0, buf1, buf2, buf_tail,
                    si0, si1, si2, so0, so1, so2):
    wid = lax.axis_index("s") * _NUM_CORES + lax.axis_index("c")
    bufs, sin, sout = (buf0, buf1), (si0, si1), (so0, so1)

    def x_rd(src_slice, dst):
        return pltpu.make_async_copy(src_slice, dst, si2)

    def x_wr(src, dst_slice):
        return pltpu.make_async_copy(src, dst_slice, so2)

    extra_off = (_FULL_ROUNDS * _NUM_WORKERS + wid) * _CHUNK_COLS

    @pl.when(wid < _N_EXTRA)
    def _():
        x_rd(tab_hbm.at[:, pl.ds(extra_off, _CHUNK_COLS)], buf2).start()

    @pl.when(wid == _N_EXTRA)
    def _():
        x_rd(tab_hbm.at[:, pl.ds(_TAIL_A_OFF, _TAIL_A_COLS)],
             buf2.at[:, pl.ds(0, _TAIL_A_COLS)]).start()

    @pl.when(wid == _N_EXTRA + 1)
    def _():
        x_rd(tab_hbm.at[:, pl.ds(_TAIL_B_OFF, _TAIL_B_COLS)], buf_tail).start()

    def rd_desc(k, b):
        off = (wid + k * _NUM_WORKERS) * _CHUNK_COLS
        return pltpu.make_async_copy(
            tab_hbm.at[:, pl.ds(off, _CHUNK_COLS)], bufs[b], sin[b])

    def wr_desc(k, b):
        off = (wid + k * _NUM_WORKERS) * _CHUNK_COLS
        return pltpu.make_async_copy(
            bufs[b], out_hbm.at[:, pl.ds(off, _CHUNK_COLS)], sout[b])

    def body(j, carry):
        for b in range(_NBUF):
            k = _NBUF * j + b

            @pl.when(j > 0)
            def _():
                wr_desc(k, b).wait()

            rd_desc(k, b).start()
        for b in range(_NBUF):
            k = _NBUF * j + b
            rd_desc(k, b).wait()
            wr_desc(k, b).start()
        return carry

    lax.fori_loop(0, _FULL_ROUNDS // _NBUF, body, 0)
    for b in range(_NBUF):
        wr_desc(_FULL_ROUNDS - _NBUF + b, b).wait()

    @pl.when(wid < _N_EXTRA)
    def _():
        x_rd(tab_hbm.at[:, pl.ds(extra_off, _CHUNK_COLS)], buf2).wait()
        x_wr(buf2, out_hbm.at[:, pl.ds(extra_off, _CHUNK_COLS)]).start()
        x_wr(buf2, out_hbm.at[:, pl.ds(extra_off, _CHUNK_COLS)]).wait()

    @pl.when(wid == _N_EXTRA)
    def _():
        x_rd(tab_hbm.at[:, pl.ds(_TAIL_A_OFF, _TAIL_A_COLS)],
             buf2.at[:, pl.ds(0, _TAIL_A_COLS)]).wait()
        x_wr(buf2.at[:, pl.ds(0, _TAIL_A_COLS)],
             out_hbm.at[:, pl.ds(_TAIL_A_OFF, _TAIL_A_COLS)]).start()
        x_wr(buf2.at[:, pl.ds(0, _TAIL_A_COLS)],
             out_hbm.at[:, pl.ds(_TAIL_A_OFF, _TAIL_A_COLS)]).wait()

    @pl.when(wid == _N_EXTRA + 1)
    def _():
        x_rd(tab_hbm.at[:, pl.ds(_TAIL_B_OFF, _TAIL_B_COLS)], buf_tail).wait()
        x_wr(buf_tail, out_hbm.at[:, pl.ds(_TAIL_B_OFF, _TAIL_B_COLS)]).start()
        x_wr(buf_tail, out_hbm.at[:, pl.ds(_TAIL_B_OFF, _TAIL_B_COLS)]).wait()


def kernel(ent_embeds, ents, batch_data):
    out_t = _sc_stream_copy(ent_embeds.T)
    return out_t.T

# --- scband reference (transcript-rebuilt; emitter-appended) ---
"""Pipeline reference for scband-trainable-embedding-71279277244796 (READ-ONLY COPY).

The authoritative reference and input builder live on the scoring server;
editing this copy changes nothing except your own understanding.
"""

import jax, jax.numpy as jnp
import numpy as np

NUM_ENTS = 1000000
LATENT_DIM = 32


def setup_inputs(seed: int = 0) -> dict:
    key = jax.random.key(seed)
    k1, k2 = jax.random.split(key)
    # torch.nn.init.kaiming_uniform_ on weight [num_ents, latent_dim]:
    # fan_in = latent_dim, a=sqrt(5) default is NOT used here (explicit call, a=0)
    # kaiming_uniform with a=0: gain = sqrt(2), bound = gain * sqrt(3 / fan_in) = sqrt(6 / fan_in)
    bound = float(np.sqrt(6.0 / LATENT_DIM))
    ent_embeds = jax.random.uniform(k1, (NUM_ENTS, LATENT_DIM), minval=-bound, maxval=bound, dtype=jnp.float32)
    # self.ents = torch.arange(num_ents), created in __init__ and closed over
    ents = jnp.arange(NUM_ENTS, dtype=jnp.int32)
    # batch_data is accepted by forward but unused
    batch_data = jax.random.randint(k2, (4096,), 0, NUM_ENTS, dtype=jnp.int32)
    return {"ent_embeds": ent_embeds, "ents": ents, "batch_data": batch_data}


def reference(ent_embeds, ents, batch_data):
    # forward: node_embeds = self.ent_embeds(self.ents); batch_data ignored
    node_embeds = jnp.take(ent_embeds, ents, axis=0)
    return node_embeds

if __name__ == "__main__":
    import jax
    _d = setup_inputs()
    print(jax.jit(kernel)(*tuple(_d.values())))

</pallas_src>

<mosaic_0001>
#map = affine_map<(d0, d1) -> (0, 0)>
module attributes {stable_mosaic.version = 14 : i64} {
  func.func @_sc_stream_copy(%arg0: i32, %arg1: i32, %arg2: memref<32x1000000xf32, #tpu.memory_space<hbm>>, %arg3: memref<32x1000000xf32, #tpu.memory_space<hbm>>, %arg4: memref<32x1280xf32, #tpu.memory_space<vmem>>, %arg5: memref<32x1280xf32, #tpu.memory_space<vmem>>, %arg6: memref<32x1280xf32, #tpu.memory_space<vmem>>, %arg7: memref<32x64xf32, #tpu.memory_space<vmem>>, %arg8: memref<!tpu.dma_semaphore, #tpu.memory_space<semaphore_mem>>, %arg9: memref<!tpu.dma_semaphore, #tpu.memory_space<semaphore_mem>>, %arg10: memref<!tpu.dma_semaphore, #tpu.memory_space<semaphore_mem>>, %arg11: memref<!tpu.dma_semaphore, #tpu.memory_space<semaphore_mem>>, %arg12: memref<!tpu.dma_semaphore, #tpu.memory_space<semaphore_mem>>, %arg13: memref<!tpu.dma_semaphore, #tpu.memory_space<semaphore_mem>>) attributes {dimension_semantics = [#tpu.dimension_semantics<core_parallel>, #tpu.dimension_semantics<subcore_parallel>], iteration_bounds = array<i64: 2, 16>, scalar_prefetch = 0 : i64, scratch_operands = 10 : i64, tpu.core_type = #tpu.core_type<sc_vector_subcore>, window_params = [{transform_indices = #map}, {transform_indices = #map}]} {
    %mul3A = arith.constant 2 : i32
    %mul3A_0 = arith.muli %arg1, %mul3A : i32
    %add3A = arith.addi %mul3A_0, %arg0 : i32
    %add3A_1 = arith.constant 768 : i32
    %add3A_2 = arith.addi %add3A_1, %add3A : i32
    %mul3A_3 = arith.constant 1280 : i32
    %mul3A_4 = arith.muli %add3A_2, %mul3A_3 : i32
    %lt3A = arith.constant 13 : i32
    %lt3A_5 = arith.cmpi slt, %add3A, %lt3A : i32
    %convert_element_type3A = arith.extui %lt3A_5 : i1 to i32
    %cond3A = arith.constant 0 : i32
    %cond3A_6 = arith.cmpi ne, %convert_element_type3A, %cond3A : i32
    scf.if %cond3A_6 {
      %dma_start3A = arith.constant 0 : i32
      %dma_start3A_51 = tpu.memref_slice %arg2[%dma_start3A, %mul3A_4] : memref<32x1000000xf32, #tpu.memory_space<hbm>> -> memref<32x1280xf32, #tpu.memory_space<hbm>>
      %dma_start3A_52 = arith.constant 0 : i32
      %dma_start3A_53 = tpu.memref_slice %arg2[%dma_start3A_52, %mul3A_4] : memref<32x1000000xf32, #tpu.memory_space<hbm>> -> memref<32x1280xf32, #tpu.memory_space<hbm>>
      tpu.enqueue_dma source(%dma_start3A_53 : memref<32x1280xf32, #tpu.memory_space<hbm>>) target(%arg6 : memref<32x1280xf32, #tpu.memory_space<vmem>>) target_semaphore(%arg10 : memref<!tpu.dma_semaphore, #tpu.memory_space<semaphore_mem>>)
    } else {
    }
    %eq3A = arith.constant 13 : i32
    %eq3A_7 = arith.cmpi eq, %add3A, %eq3A : i32
    %convert_element_type3A_8 = arith.extui %eq3A_7 : i1 to i32
    %cond3A_9 = arith.constant 0 : i32
    %cond3A_10 = arith.cmpi ne, %convert_element_type3A_8, %cond3A_9 : i32
    scf.if %cond3A_10 {
      %dma_start3A = arith.constant 0 : i32
      %dma_start3A_51 = arith.constant 0 : i32
      %dma_start3A_52 = tpu.memref_slice %arg6[%dma_start3A, %dma_start3A_51] : memref<32x1280xf32, #tpu.memory_space<vmem>> -> memref<32x256xf32, #tpu.memory_space<vmem>>
      %dma_start3A_53 = arith.constant 0 : i32
      %dma_start3A_54 = arith.constant 999680 : i32
      %dma_start3A_55 = tpu.memref_slice %arg2[%dma_start3A_53, %dma_start3A_54] : memref<32x1000000xf32, #tpu.memory_space<hbm>> -> memref<32x256xf32, #tpu.memory_space<hbm>>
      %dma_start3A_56 = arith.constant 0 : i32
      %dma_start3A_57 = arith.constant 0 : i32
      %dma_start3A_58 = tpu.memref_slice %arg6[%dma_start3A_56, %dma_start3A_57] : memref<32x1280xf32, #tpu.memory_space<vmem>> -> memref<32x256xf32, #tpu.memory_space<vmem>>
      %dma_start3A_59 = arith.constant 0 : i32
      %dma_start3A_60 = arith.constant 999680 : i32
      %dma_start3A_61 = tpu.memref_slice %arg2[%dma_start3A_59, %dma_start3A_60] : memref<32x1000000xf32, #tpu.memory_space<hbm>> -> memref<32x256xf32, #tpu.memory_space<hbm>>
      tpu.enqueue_dma source(%dma_start3A_61 : memref<32x256xf32, #tpu.memory_space<hbm>>) target(%dma_start3A_58 : memref<32x256xf32, #tpu.memory_space<vmem>>) target_semaphore(%arg10 : memref<!tpu.dma_semaphore, #tpu.memory_space<semaphore_mem>>)
    } else {
    }
    %eq3A_11 = arith.constant 14 : i32
    %eq3A_12 = arith.cmpi eq, %add3A, %eq3A_11 : i32
    %convert_element_type3A_13 = arith.extui %eq3A_12 : i1 to i32
    %cond3A_14 = arith.constant 0 : i32
    %cond3A_15 = arith.cmpi ne, %convert_element_type3A_13, %cond3A_14 : i32
    scf.if %cond3A_15 {
      %dma_start3A = arith.constant 0 : i32
      %dma_start3A_51 = arith.constant 999936 : i32
      %dma_start3A_52 = tpu.memref_slice %arg2[%dma_start3A, %dma_start3A_51] : memref<32x1000000xf32, #tpu.memory_space<hbm>> -> memref<32x64xf32, #tpu.memory_space<hbm>>
      %dma_start3A_53 = arith.constant 0 : i32
      %dma_start3A_54 = arith.constant 999936 : i32
      %dma_start3A_55 = tpu.memref_slice %arg2[%dma_start3A_53, %dma_start3A_54] : memref<32x1000000xf32, #tpu.memory_space<hbm>> -> memref<32x64xf32, #tpu.memory_space<hbm>>
      tpu.enqueue_dma source(%dma_start3A_55 : memref<32x64xf32, #tpu.memory_space<hbm>>) target(%arg7 : memref<32x64xf32, #tpu.memory_space<vmem>>) target_semaphore(%arg10 : memref<!tpu.dma_semaphore, #tpu.memory_space<semaphore_mem>>)
    } else {
    }
    %scan3A = arith.constant 0 : i32
    %scan3A_16 = arith.constant 0 : i32
    %scan3A_17 = arith.constant 12 : i32
    %scan3A_18 = arith.addi %scan3A_16, %scan3A_17 : i32
    %scan3A_19 = arith.constant 1 : i32
    scf.for %scan3A_51 = %scan3A_16 to %scan3A_18 step %scan3A_19  : i32 {
      %mul3A_52 = arith.constant 2 : i32
      %mul3A_53 = arith.muli %mul3A_52, %scan3A_51 : i32
      %add3A_54 = arith.constant 0 : i32
      %add3A_55 = arith.addi %mul3A_53, %add3A_54 : i32
      %gt3A = arith.constant 0 : i32
      %gt3A_56 = arith.cmpi sgt, %scan3A_51, %gt3A : i32
      %convert_element_type3A_57 = arith.extui %gt3A_56 : i1 to i32
      %cond3A_58 = arith.constant 0 : i32
      %cond3A_59 = arith.cmpi ne, %convert_element_type3A_57, %cond3A_58 : i32
      scf.if %cond3A_59 {
        %mul3A_130 = arith.constant 32 : i32
        %mul3A_131 = arith.muli %add3A_55, %mul3A_130 : i32
        %add3A_132 = arith.addi %add3A, %mul3A_131 : i32
        %mul3A_133 = arith.constant 1280 : i32
        %mul3A_134 = arith.muli %add3A_132, %mul3A_133 : i32
        %dma_wait3A_135 = arith.constant 0 : i32
        %dma_wait3A_136 = tpu.memref_slice %arg3[%dma_wait3A_135, %mul3A_134] : memref<32x1000000xf32, #tpu.memory_space<hbm>> -> memref<32x1280xf32, #tpu.memory_space<hbm>>
        %dma_wait3A_137 = arith.constant 0 : i32
        %dma_wait3A_138 = tpu.memref_slice %arg3[%dma_wait3A_137, %mul3A_134] : memref<32x1000000xf32, #tpu.memory_space<hbm>> -> memref<32x1280xf32, #tpu.memory_space<hbm>>
        tpu.wait_dma2 semaphore(%arg11 : memref<!tpu.dma_semaphore, #tpu.memory_space<semaphore_mem>>) src(%arg4 : memref<32x1280xf32, #tpu.memory_space<vmem>>) dst(%dma_wait3A_138 : memref<32x1280xf32, #tpu.memory_space<hbm>>)
      } else {
      }
      %mul3A_60 = arith.constant 32 : i32
      %mul3A_61 = arith.muli %add3A_55, %mul3A_60 : i32
      %add3A_62 = arith.addi %add3A, %mul3A_61 : i32
      %mul3A_63 = arith.constant 1280 : i32
      %mul3A_64 = arith.muli %add3A_62, %mul3A_63 : i32
      %dma_start3A = arith.constant 0 : i32
      %dma_start3A_65 = tpu.memref_slice %arg2[%dma_start3A, %mul3A_64] : memref<32x1000000xf32, #tpu.memory_space<hbm>> -> memref<32x1280xf32, #tpu.memory_space<hbm>>
      %dma_start3A_66 = arith.constant 0 : i32
      %dma_start3A_67 = tpu.memref_slice %arg2[%dma_start3A_66, %mul3A_64] : memref<32x1000000xf32, #tpu.memory_space<hbm>> -> memref<32x1280xf32, #tpu.memory_space<hbm>>
      tpu.enqueue_dma source(%dma_start3A_67 : memref<32x1280xf32, #tpu.memory_space<hbm>>) target(%arg4 : memref<32x1280xf32, #tpu.memory_space<vmem>>) target_semaphore(%arg8 : memref<!tpu.dma_semaphore, #tpu.memory_space<semaphore_mem>>)
      %mul3A_68 = arith.constant 2 : i32
      %mul3A_69 = arith.muli %mul3A_68, %scan3A_51 : i32
      %add3A_70 = arith.constant 1 : i32
      %add3A_71 = arith.addi %mul3A_69, %add3A_70 : i32
      %gt3A_72 = arith.constant 0 : i32
      %gt3A_73 = arith.cmpi sgt, %scan3A_51, %gt3A_72 : i32
      %convert_element_type3A_74 = arith.extui %gt3A_73 : i1 to i32
      %cond3A_75 = arith.constant 0 : i32
      %cond3A_76 = arith.cmpi ne, %convert_element_type3A_74, %cond3A_75 : i32
      scf.if %cond3A_76 {
        %mul3A_130 = arith.constant 32 : i32
        %mul3A_131 = arith.muli %add3A_71, %mul3A_130 : i32
        %add3A_132 = arith.addi %add3A, %mul3A_131 : i32
        %mul3A_133 = arith.constant 1280 : i32
        %mul3A_134 = arith.muli %add3A_132, %mul3A_133 : i32
        %dma_wait3A_135 = arith.constant 0 : i32
        %dma_wait3A_136 = tpu.memref_slice %arg3[%dma_wait3A_135, %mul3A_134] : memref<32x1000000xf32, #tpu.memory_space<hbm>> -> memref<32x1280xf32, #tpu.memory_space<hbm>>
        %dma_wait3A_137 = arith.constant 0 : i32
        %dma_wait3A_138 = tpu.memref_slice %arg3[%dma_wait3A_137, %mul3A_134] : memref<32x1000000xf32, #tpu.memory_space<hbm>> -> memref<32x1280xf32, #tpu.memory_space<hbm>>
        tpu.wait_dma2 semaphore(%arg12 : memref<!tpu.dma_semaphore, #tpu.memory_space<semaphore_mem>>) src(%arg5 : memref<32x1280xf32, #tpu.memory_space<vmem>>) dst(%dma_wait3A_138 : memref<32x1280xf32, #tpu.memory_space<hbm>>)
      } else {
      }
      %mul3A_77 = arith.constant 32 : i32
      %mul3A_78 = arith.muli %add3A_71, %mul3A_77 : i32
      %add3A_79 = arith.addi %add3A, %mul3A_78 : i32
      %mul3A_80 = arith.constant 1280 : i32
      %mul3A_81 = arith.muli %add3A_79, %mul3A_80 : i32
      %dma_start3A_82 = arith.constant 0 : i32
      %dma_start3A_83 = tpu.memref_slice %arg2[%dma_start3A_82, %mul3A_81] : memref<32x1000000xf32, #tpu.memory_space<hbm>> -> memref<32x1280xf32, #tpu.memory_space<hbm>>
      %dma_start3A_84 = arith.constant 0 : i32
      %dma_start3A_85 = tpu.memref_slice %arg2[%dma_start3A_84, %mul3A_81] : memref<32x1000000xf32, #tpu.memory_space<hbm>> -> memref<32x1280xf32, #tpu.memory_space<hbm>>
      tpu.enqueue_dma source(%dma_start3A_85 : memref<32x1280xf32, #tpu.memory_space<hbm>>) target(%arg5 : memref<32x1280xf32, #tpu.memory_space<vmem>>) target_semaphore(%arg9 : memref<!tpu.dma_semaphore, #tpu.memory_space<semaphore_mem>>)
      %mul3A_86 = arith.constant 2 : i32
      %mul3A_87 = arith.muli %mul3A_86, %scan3A_51 : i32
      %add3A_88 = arith.constant 0 : i32
      %add3A_89 = arith.addi %mul3A_87, %add3A_88 : i32
      %mul3A_90 = arith.constant 32 : i32
      %mul3A_91 = arith.muli %add3A_89, %mul3A_90 : i32
      %add3A_92 = arith.addi %add3A, %mul3A_91 : i32
      %mul3A_93 = arith.constant 1280 : i32
      %mul3A_94 = arith.muli %add3A_92, %mul3A_93 : i32
      %dma_wait3A_95 = arith.constant 0 : i32
      %dma_wait3A_96 = tpu.memref_slice %arg2[%dma_wait3A_95, %mul3A_94] : memref<32x1000000xf32, #tpu.memory_space<hbm>> -> memref<32x1280xf32, #tpu.memory_space<hbm>>
      %dma_wait3A_97 = arith.constant 0 : i32
      %dma_wait3A_98 = tpu.memref_slice %arg2[%dma_wait3A_97, %mul3A_94] : memref<32x1000000xf32, #tpu.memory_space<hbm>> -> memref<32x1280xf32, #tpu.memory_space<hbm>>
      tpu.wait_dma2 semaphore(%arg8 : memref<!tpu.dma_semaphore, #tpu.memory_space<semaphore_mem>>) src(%dma_wait3A_98 : memref<32x1280xf32, #tpu.memory_space<hbm>>) dst(%arg4 : memref<32x1280xf32, #tpu.memory_space<vmem>>)
      %mul3A_99 = arith.constant 32 : i32
      %mul3A_100 = arith.muli %add3A_89, %mul3A_99 : i32
      %add3A_101 = arith.addi %add3A, %mul3A_100 : i32
      %mul3A_102 = arith.constant 1280 : i32
      %mul3A_103 = arith.muli %add3A_101, %mul3A_102 : i32
      %dma_start3A_104 = arith.constant 0 : i32
      %dma_start3A_105 = tpu.memref_slice %arg3[%dma_start3A_104, %mul3A_103] : memref<32x1000000xf32, #tpu.memory_space<hbm>> -> memref<32x1280xf32, #tpu.memory_space<hbm>>
      %dma_start3A_106 = arith.constant 0 : i32
      %dma_start3A_107 = tpu.memref_slice %arg3[%dma_start3A_106, %mul3A_103] : memref<32x1000000xf32, #tpu.memory_space<hbm>> -> memref<32x1280xf32, #tpu.memory_space<hbm>>
      tpu.enqueue_dma source(%arg4 : memref<32x1280xf32, #tpu.memory_space<vmem>>) target(%dma_start3A_107 : memref<32x1280xf32, #tpu.memory_space<hbm>>) target_semaphore(%arg11 : memref<!tpu.dma_semaphore, #tpu.memory_space<semaphore_mem>>)
      %mul3A_108 = arith.constant 2 : i32
      %mul3A_109 = arith.muli %mul3A_108, %scan3A_51 : i32
      %add3A_110 = arith.constant 1 : i32
      %add3A_111 = arith.addi %mul3A_109, %add3A_110 : i32
      %mul3A_112 = arith.constant 32 : i32
      %mul3A_113 = arith.muli %add3A_111, %mul3A_112 : i32
      %add3A_114 = arith.addi %add3A, %mul3A_113 : i32
      %mul3A_115 = arith.constant 1280 : i32
      %mul3A_116 = arith.muli %add3A_114, %mul3A_115 : i32
      %dma_wait3A_117 = arith.constant 0 : i32
      %dma_wait3A_118 = tpu.memref_slice %arg2[%dma_wait3A_117, %mul3A_116] : memref<32x1000000xf32, #tpu.memory_space<hbm>> -> memref<32x1280xf32, #tpu.memory_space<hbm>>
      %dma_wait3A_119 = arith.constant 0 : i32
      %dma_wait3A_120 = tpu.memref_slice %arg2[%dma_wait3A_119, %mul3A_116] : memref<32x1000000xf32, #tpu.memory_space<hbm>> -> memref<32x1280xf32, #tpu.memory_space<hbm>>
      tpu.wait_dma2 semaphore(%arg9 : memref<!tpu.dma_semaphore, #tpu.memory_space<semaphore_mem>>) src(%dma_wait3A_120 : memref<32x1280xf32, #tpu.memory_space<hbm>>) dst(%arg5 : memref<32x1280xf32, #tpu.memory_space<vmem>>)
      %mul3A_121 = arith.constant 32 : i32
      %mul3A_122 = arith.muli %add3A_111, %mul3A_121 : i32
      %add3A_123 = arith.addi %add3A, %mul3A_122 : i32
      %mul3A_124 = arith.constant 1280 : i32
      %mul3A_125 = arith.muli %add3A_123, %mul3A_124 : i32
      %dma_start3A_126 = arith.constant 0 : i32
      %dma_start3A_127 = tpu.memref_slice %arg3[%dma_start3A_126, %mul3A_125] : memref<32x1000000xf32, #tpu.memory_space<hbm>> -> memref<32x1280xf32, #tpu.memory_space<hbm>>
      %dma_start3A_128 = arith.constant 0 : i32
      %dma_start3A_129 = tpu.memref_slice %arg3[%dma_start3A_128, %mul3A_125] : memref<32x1000000xf32, #tpu.memory_space<hbm>> -> memref<32x1280xf32, #tpu.memory_space<hbm>>
      tpu.enqueue_dma source(%arg5 : memref<32x1280xf32, #tpu.memory_space<vmem>>) target(%dma_start3A_129 : memref<32x1280xf32, #tpu.memory_space<hbm>>) target_semaphore(%arg12 : memref<!tpu.dma_semaphore, #tpu.memory_space<semaphore_mem>>)
    }
    %scan3A_20 = arith.constant 12 : i32
    %add3A_21 = arith.constant 704 : i32
    %add3A_22 = arith.addi %add3A, %add3A_21 : i32
    %mul3A_23 = arith.constant 1280 : i32
    %mul3A_24 = arith.muli %add3A_22, %mul3A_23 : i32
    %dma_wait3A = arith.constant 0 : i32
    %dma_wait3A_25 = tpu.memref_slice %arg3[%dma_wait3A, %mul3A_24] : memref<32x1000000xf32, #tpu.memory_space<hbm>> -> memref<32x1280xf32, #tpu.memory_space<hbm>>
    %dma_wait3A_26 = arith.constant 0 : i32
    %dma_wait3A_27 = tpu.memref_slice %arg3[%dma_wait3A_26, %mul3A_24] : memref<32x1000000xf32, #tpu.memory_space<hbm>> -> memref<32x1280xf32, #tpu.memory_space<hbm>>
    tpu.wait_dma2 semaphore(%arg11 : memref<!tpu.dma_semaphore, #tpu.memory_space<semaphore_mem>>) src(%arg4 : memref<32x1280xf32, #tpu.memory_space<vmem>>) dst(%dma_wait3A_27 : memref<32x1280xf32, #tpu.memory_space<hbm>>)
    %add3A_28 = arith.constant 736 : i32
    %add3A_29 = arith.addi %add3A, %add3A_28 : i32
    %mul3A_30 = arith.constant 1280 : i32
    %mul3A_31 = arith.muli %add3A_29, %mul3A_30 : i32
    %dma_wait3A_32 = arith.constant 0 : i32
    %dma_wait3A_33 = tpu.memref_slice %arg3[%dma_wait3A_32, %mul3A_31] : memref<32x1000000xf32, #tpu.memory_space<hbm>> -> memref<32x1280xf32, #tpu.memory_space<hbm>>
    %dma_wait3A_34 = arith.constant 0 : i32
    %dma_wait3A_35 = tpu.memref_slice %arg3[%dma_wait3A_34, %mul3A_31] : memref<32x1000000xf32, #tpu.memory_space<hbm>> -> memref<32x1280xf32, #tpu.memory_space<hbm>>
    tpu.wait_dma2 semaphore(%arg12 : memref<!tpu.dma_semaphore, #tpu.memory_space<semaphore_mem>>) src(%arg5 : memref<32x1280xf32, #tpu.memory_space<vmem>>) dst(%dma_wait3A_35 : memref<32x1280xf32, #tpu.memory_space<hbm>>)
    %lt3A_36 = arith.constant 13 : i32
    %lt3A_37 = arith.cmpi slt, %add3A, %lt3A_36 : i32
    %convert_element_type3A_38 = arith.extui %lt3A_37 : i1 to i32
    %cond3A_39 = arith.constant 0 : i32
    %cond3A_40 = arith.cmpi ne, %convert_element_type3A_38, %cond3A_39 : i32
    scf.if %cond3A_40 {
      %dma_wait3A_51 = arith.constant 0 : i32
      %dma_wait3A_52 = tpu.memref_slice %arg2[%dma_wait3A_51, %mul3A_4] : memref<32x1000000xf32, #tpu.memory_space<hbm>> -> memref<32x1280xf32, #tpu.memory_space<hbm>>
      %dma_wait3A_53 = arith.constant 0 : i32
      %dma_wait3A_54 = tpu.memref_slice %arg2[%dma_wait3A_53, %mul3A_4] : memref<32x1000000xf32, #tpu.memory_space<hbm>> -> memref<32x1280xf32, #tpu.memory_space<hbm>>
      tpu.wait_dma2 semaphore(%arg10 : memref<!tpu.dma_semaphore, #tpu.memory_space<semaphore_mem>>) src(%dma_wait3A_54 : memref<32x1280xf32, #tpu.memory_space<hbm>>) dst(%arg6 : memref<32x1280xf32, #tpu.memory_space<vmem>>)
      %dma_start3A = arith.constant 0 : i32
      %dma_start3A_55 = tpu.memref_slice %arg3[%dma_start3A, %mul3A_4] : memref<32x1000000xf32, #tpu.memory_space<hbm>> -> memref<32x1280xf32, #tpu.memory_space<hbm>>
      %dma_start3A_56 = arith.constant 0 : i32
      %dma_start3A_57 = tpu.memref_slice %arg3[%dma_start3A_56, %mul3A_4] : memref<32x1000000xf32, #tpu.memory_space<hbm>> -> memref<32x1280xf32, #tpu.memory_space<hbm>>
      tpu.enqueue_dma source(%arg6 : memref<32x1280xf32, #tpu.memory_space<vmem>>) target(%dma_start3A_57 : memref<32x1280xf32, #tpu.memory_space<hbm>>) target_semaphore(%arg13 : memref<!tpu.dma_semaphore, #tpu.memory_space<semaphore_mem>>)
      %dma_wait3A_58 = arith.constant 0 : i32
      %dma_wait3A_59 = tpu.memref_slice %arg3[%dma_wait3A_58, %mul3A_4] : memref<32x1000000xf32, #tpu.memory_space<hbm>> -> memref<32x1280xf32, #tpu.memory_space<hbm>>
      %dma_wait3A_60 = arith.constant 0 : i32
      %dma_wait3A_61 = tpu.memref_slice %arg3[%dma_wait3A_60, %mul3A_4] : memref<32x1000000xf32, #tpu.memory_space<hbm>> -> memref<32x1280xf32, #tpu.memory_space<hbm>>
      tpu.wait_dma2 semaphore(%arg13 : memref<!tpu.dma_semaphore, #tpu.memory_space<semaphore_mem>>) src(%arg6 : memref<32x1280xf32, #tpu.memory_space<vmem>>) dst(%dma_wait3A_61 : memref<32x1280xf32, #tpu.memory_space<hbm>>)
    } else {
    }
    %eq3A_41 = arith.constant 13 : i32
    %eq3A_42 = arith.cmpi eq, %add3A, %eq3A_41 : i32
    %convert_element_type3A_43 = arith.extui %eq3A_42 : i1 to i32
    %cond3A_44 = arith.constant 0 : i32
    %cond3A_45 = arith.cmpi ne, %convert_element_type3A_43, %cond3A_44 : i32
    scf.if %cond3A_45 {
      %dma_wait3A_51 = arith.constant 0 : i32
      %dma_wait3A_52 = arith.constant 0 : i32
      %dma_wait3A_53 = tpu.memref_slice %arg6[%dma_wait3A_51, %dma_wait3A_52] : memref<32x1280xf32, #tpu.memory_space<vmem>> -> memref<32x256xf32, #tpu.memory_space<vmem>>
      %dma_wait3A_54 = arith.constant 0 : i32
      %dma_wait3A_55 = arith.constant 999680 : i32
      %dma_wait3A_56 = tpu.memref_slice %arg2[%dma_wait3A_54, %dma_wait3A_55] : memref<32x1000000xf32, #tpu.memory_space<hbm>> -> memref<32x256xf32, #tpu.memory_space<hbm>>
      %dma_wait3A_57 = arith.constant 0 : i32
      %dma_wait3A_58 = arith.constant 0 : i32
      %dma_wait3A_59 = tpu.memref_slice %arg6[%dma_wait3A_57, %dma_wait3A_58] : memref<32x1280xf32, #tpu.memory_space<vmem>> -> memref<32x256xf32, #tpu.memory_space<vmem>>
      %dma_wait3A_60 = arith.constant 0 : i32
      %dma_wait3A_61 = arith.constant 999680 : i32
      %dma_wait3A_62 = tpu.memref_slice %arg2[%dma_wait3A_60, %dma_wait3A_61] : memref<32x1000000xf32, #tpu.memory_space<hbm>> -> memref<32x256xf32, #tpu.memory_space<hbm>>
      tpu.wait_dma2 semaphore(%arg10 : memref<!tpu.dma_semaphore, #tpu.memory_space<semaphore_mem>>) src(%dma_wait3A_62 : memref<32x256xf32, #tpu.memory_space<hbm>>) dst(%dma_wait3A_59 : memref<32x256xf32, #tpu.memory_space<vmem>>)
      %dma_start3A = arith.constant 0 : i32
      %dma_start3A_63 = arith.constant 0 : i32
      %dma_start3A_64 = tpu.memref_slice %arg6[%dma_start3A, %dma_start3A_63] : memref<32x1280xf32, #tpu.memory_space<vmem>> -> memref<32x256xf32, #tpu.memory_space<vmem>>
      %dma_start3A_65 = arith.constant 0 : i32
      %dma_start3A_66 = arith.constant 999680 : i32
      %dma_start3A_67 = tpu.memref_slice %arg3[%dma_start3A_65, %dma_start3A_66] : memref<32x1000000xf32, #tpu.memory_space<hbm>> -> memref<32x256xf32, #tpu.memory_space<hbm>>
      %dma_start3A_68 = arith.constant 0 : i32
      %dma_start3A_69 = arith.constant 999680 : i32
      %dma_start3A_70 = tpu.memref_slice %arg3[%dma_start3A_68, %dma_start3A_69] : memref<32x1000000xf32, #tpu.memory_space<hbm>> -> memref<32x256xf32, #tpu.memory_space<hbm>>
      %dma_start3A_71 = arith.constant 0 : i32
      %dma_start3A_72 = arith.constant 0 : i32
      %dma_start3A_73 = tpu.memref_slice %arg6[%dma_start3A_71, %dma_start3A_72] : memref<32x1280xf32, #tpu.memory_space<vmem>> -> memref<32x256xf32, #tpu.memory_space<vmem>>
      tpu.enqueue_dma source(%dma_start3A_73 : memref<32x256xf32, #tpu.memory_space<vmem>>) target(%dma_start3A_70 : memref<32x256xf32, #tpu.memory_space<hbm>>) target_semaphore(%arg13 : memref<!tpu.dma_semaphore, #tpu.memory_space<semaphore_mem>>)
      %dma_wait3A_74 = arith.constant 0 : i32
      %dma_wait3A_75 = arith.constant 0 : i32
      %dma_wait3A_76 = tpu.memref_slice %arg6[%dma_wait3A_74, %dma_wait3A_75] : memref<32x1280xf32, #tpu.memory_space<vmem>> -> memref<32x256xf32, #tpu.memory_space<vmem>>
      %dma_wait3A_77 = arith.constant 0 : i32
      %dma_wait3A_78 = arith.constant 999680 : i32
      %dma_wait3A_79 = tpu.memref_slice %arg3[%dma_wait3A_77, %dma_wait3A_78] : memref<32x1000000xf32, #tpu.memory_space<hbm>> -> memref<32x256xf32, #tpu.memory_space<hbm>>
      %dma_wait3A_80 = arith.constant 0 : i32
      %dma_wait3A_81 = arith.constant 999680 : i32
      %dma_wait3A_82 = tpu.memref_slice %arg3[%dma_wait3A_80, %dma_wait3A_81] : memref<32x1000000xf32, #tpu.memory_space<hbm>> -> memref<32x256xf32, #tpu.memory_space<hbm>>
      %dma_wait3A_83 = arith.constant 0 : i32
      %dma_wait3A_84 = arith.constant 0 : i32
      %dma_wait3A_85 = tpu.memref_slice %arg6[%dma_wait3A_83, %dma_wait3A_84] : memref<32x1280xf32, #tpu.memory_space<vmem>> -> memref<32x256xf32, #tpu.memory_space<vmem>>
      tpu.wait_dma2 semaphore(%arg13 : memref<!tpu.dma_semaphore, #tpu.memory_space<semaphore_mem>>) src(%dma_wait3A_85 : memref<32x256xf32, #tpu.memory_space<vmem>>) dst(%dma_wait3A_82 : memref<32x256xf32, #tpu.memory_space<hbm>>)
    } else {
    }
    %eq3A_46 = arith.constant 14 : i32
    %eq3A_47 = arith.cmpi eq, %add3A, %eq3A_46 : i32
    %convert_element_type3A_48 = arith.extui %eq3A_47 : i1 to i32
    %cond3A_49 = arith.constant 0 : i32
    %cond3A_50 = arith.cmpi ne, %convert_element_type3A_48, %cond3A_49 : i32
    scf.if %cond3A_50 {
      %dma_wait3A_51 = arith.constant 0 : i32
      %dma_wait3A_52 = arith.constant 999936 : i32
      %dma_wait3A_53 = tpu.memref_slice %arg2[%dma_wait3A_51, %dma_wait3A_52] : memref<32x1000000xf32, #tpu.memory_space<hbm>> -> memref<32x64xf32, #tpu.memory_space<hbm>>
      %dma_wait3A_54 = arith.constant 0 : i32
      %dma_wait3A_55 = arith.constant 999936 : i32
      %dma_wait3A_56 = tpu.memref_slice %arg2[%dma_wait3A_54, %dma_wait3A_55] : memref<32x1000000xf32, #tpu.memory_space<hbm>> -> memref<32x64xf32, #tpu.memory_space<hbm>>
      tpu.wait_dma2 semaphore(%arg10 : memref<!tpu.dma_semaphore, #tpu.memory_space<semaphore_mem>>) src(%dma_wait3A_56 : memref<32x64xf32, #tpu.memory_space<hbm>>) dst(%arg7 : memref<32x64xf32, #tpu.memory_space<vmem>>)
      %dma_start3A = arith.constant 0 : i32
      %dma_start3A_57 = arith.constant 999936 : i32
      %dma_start3A_58 = tpu.memref_slice %arg3[%dma_start3A, %dma_start3A_57] : memref<32x1000000xf32, #tpu.memory_space<hbm>> -> memref<32x64xf32, #tpu.memory_space<hbm>>
      %dma_start3A_59 = arith.constant 0 : i32
      %dma_start3A_60 = arith.constant 999936 : i32
      %dma_start3A_61 = tpu.memref_slice %arg3[%dma_start3A_59, %dma_start3A_60] : memref<32x1000000xf32, #tpu.memory_space<hbm>> -> memref<32x64xf32, #tpu.memory_space<hbm>>
      tpu.enqueue_dma source(%arg7 : memref<32x64xf32, #tpu.memory_space<vmem>>) target(%dma_start3A_61 : memref<32x64xf32, #tpu.memory_space<hbm>>) target_semaphore(%arg13 : memref<!tpu.dma_semaphore, #tpu.memory_space<semaphore_mem>>)
      %dma_wait3A_62 = arith.constant 0 : i32
      %dma_wait3A_63 = arith.constant 999936 : i32
      %dma_wait3A_64 = tpu.memref_slice %arg3[%dma_wait3A_62, %dma_wait3A_63] : memref<32x1000000xf32, #tpu.memory_space<hbm>> -> memref<32x64xf32, #tpu.memory_space<hbm>>
      %dma_wait3A_65 = arith.constant 0 : i32
      %dma_wait3A_66 = arith.constant 999936 : i32
      %dma_wait3A_67 = tpu.memref_slice %arg3[%dma_wait3A_65, %dma_wait3A_66] : memref<32x1000000xf32, #tpu.memory_space<hbm>> -> memref<32x64xf32, #tpu.memory_space<hbm>>
      tpu.wait_dma2 semaphore(%arg13 : memref<!tpu.dma_semaphore, #tpu.memory_space<semaphore_mem>>) src(%arg7 : memref<32x64xf32, #tpu.memory_space<vmem>>) dst(%dma_wait3A_67 : memref<32x64xf32, #tpu.memory_space<hbm>>)
    } else {
    }
    return
  }
}

</mosaic_0001>

<sc_bundles>
// kernel: kernel.3.cloned.1.call-start
scs
__scs_entry_jumppad:
0x0: {  	(pc) =	sbr.rel $0x88, $3  }
0x1: {  	(tag) =	ssettag $0x0;
	lr =	simm.s32 $0x1  }
0x2: {  	[smem:$0x3FA0] =	sst lr;
	_ =	strace $0xD0000000  }
0x3: {  	_ = 	snop  }
0x4: {  	_ = 	snop  }
0x5: {  	_ = 	snop  }
0x6: {  	_ = 	snop  }
0x7: {  	_ = 	snop  }
__scs_overlays_trampoline_lowered:
0x8: {  	[smem:$0x3FAF] =	sst s0  }
0x9: {  	[smem:$0x3FB0] =	sst s1  }
0xa: {  	[smem:$0x3FB1] =	sst s2  }
0xb: {  	[smem:$0x3FB2] =	sst s3  }
0xc: {  	[smem:$0x3FB3] =	sst s4  }
0xd: {  	[smem:$0x3FB4] =	sst s5  }
0xe: {  	[smem:$0x3FB5] =	sst s6  }
0xf: {  	[smem:$0x3FB6] =	sst s7  }
0x10: {  	[smem:$0x3FB7] =	sst s8  }
0x11: {  	[smem:$0x3FB8] =	sst s9;
	s0 =	simm.s32 @!p0 $0x0  }
0x12: {  	s1 =	sld [smem:$0x3F9E];
	s0 =	simm.s32 @p0 $0x1  }
0x13: {  	[smem:$0x3FB9] =	sst s0;
	s0 =	simm.s32 @!p1 $0x0  }
0x14: {  	s2 =	sld [smem:$0x3F9D];
	s0 =	simm.s32 @p1 $0x1  }
0x15: {  	[smem:$0x3FBA] =	sst s0;
	s0 =	simm.s32 @!p2 $0x0  }
0x16: {  	s3 =	sld [smem:$0x3FDB];
	s0 =	simm.s32 @p2 $0x1  }
0x17: {  	s4 =	simm.s32 $0x1BF5;
	[smem:$0x3FBC] =	sst s0  }
0x18: {  	s0 =	sld [smem:$0x3F9F];
	_ =	swait.ge [sflag:s4], $0x0  }
0x19: {  	s7 =	sld [smem:$0x3FA0]  }
0x1a: {  	s8 =	sadd.s32 $0xFFFFE003, lr  }
0x1b: {  	s9 =	sadd.s32 $0xFFFFFEF7, lr;
	s5 =	simm.s32 $0xFFFFFFFF;
	p2 =	slt.u32 s8, $0xFFFFF086  }
0x1c: {  	p1 =	slt.u32 s9, $0xF7A;
	s5 =	simm.s32 @!p2 $0x0  }
0x1d: {  	s5 =	simm.s32 @p1 $0x1;
	p0 =	seq.s32 s7, s2  }
0x1e: {  	s7 =	smul.u32 @!p0 $0xF7A, s2;
	p2 =	seq.s32 @!p0 s5, $0x0  }
0x1f: {  	s9 =	smul.u32 $0xF7A, s1;
	s8 =	simm.s32 @!p0 $0x1BF5;
	p2 =	por !p2, p0  }
0x20: {  	[sflag:s8] =	ssyncset.s32 @!p0 $0xFFFFF086;
	s6 =	sadd.s32 @!p0 s3, s7;
	s7 =	simm.s32 @!p0 $0x108  }
0x21: {  	s3 =	sadd.s32 s3, s9;
	s6 =	sadd.s32 @!p0 $0x88, s6;
	s7 =	simm.s32 @p2 $0x1082  }
0x22: {  	[simem:s7], [sflag:s8] =	dma.local @!p0 [hbm:s6], $0xF7A  }
0x23: {  	s9 =	sor.u32 $0xD0000000, s2;
	s6 =	simm.s32 $0x108;
	_ =	swait.ge @!p0 [sflag:s8], $0x0  }
0x24: {  	s3 =	sadd.s32 $0x88, s3;
	s6 =	simm.s32 @!p1 $0x1082;
	[sflag:s4] =	ssyncset.s32 $0xFFFFF086  }
0x25: {  	[simem:s6], [sflag:s4] =	dma.local [hbm:s3], $0xF7A  }
0x26: {  	[smem:$0x3FA0] =	sst s1;
	(tag) =	ssettag s2;
	_ =	strace s9  }
0x27: {  	s1 =	sld [smem:$0x3FB0]  }
0x28: {  	s2 =	sld [smem:$0x3FB1]  }
0x29: {  	s4 =	sld [smem:$0x3FB3]  }
0x2a: {  	p0 =	seq.s32 s5, $0x0;
	s5 =	sld [smem:$0x3FB4]  }
0x2b: {  	s6 =	sld [smem:$0x3FB5]  }
0x2c: {  	s7 =	sld [smem:$0x3FB6]  }
0x2d: {  	s3 =	simm.s32 $0x108;
	s8 =	sld [smem:$0x3FB7]  }
0x2e: {  	s3 =	simm.s32 @!p0 $0x1082;
	s9 =	sld [smem:$0x3FB8]  }
0x2f: {  	lr =	sadd.s32 s0, s3;
	s0 =	sld [smem:$0x3FAF]  }
0x30: {  	s3 =	sld [smem:$0x3FB2]  }
0x31: {  	[smem:$0x3FBB] =	sst s10  }
0x32: {  	s10 =	sld [smem:$0x3FB9];
	_ =	sdelay $0x3  }
0x33: {  	p0 =	seq.s32 s10, $0x1;
	s10 =	sld [smem:$0x3FBB];
	_ =	sdelay $0x3  }
0x34: {  	[smem:$0x3FBB] =	sst s10  }
0x35: {  	s10 =	sld [smem:$0x3FBA];
	_ =	sdelay $0x3  }
0x36: {  	p1 =	seq.s32 s10, $0x1;
	s10 =	sld [smem:$0x3FBB];
	_ =	sdelay $0x3  }
0x37: {  	[smem:$0x3FBB] =	sst s10  }
0x38: {  	s10 =	sld [smem:$0x3FBC]  }
0x39: {  	_ = 	snop;
	(pc) =	sbr.ind lr, $3  }
0x3a: {  	_ = 	snop  }
0x3b: {  	_ = 	snop  }
0x3c: {  	p2 =	seq.s32 s10, $0x1;
	s10 =	sld [smem:$0x3FBB]  }
0x3d: {  	_ =	shalt  }
0x3e: {  	_ =	shalt  }
0x3f: {  	_ =	shalt  }
0x40: {  	_ =	shalt  }
0x41: {  	_ =	shalt  }
0x42: {  	_ =	shalt  }
0x43: {  	_ =	shalt  }
0x44: {  	_ =	shalt  }
0x45: {  	_ =	shalt  }
0x46: {  	_ =	shalt  }
0x47: {  	_ =	shalt  }
0x48: {  	_ =	shalt  }
0x49: {  	_ =	shalt  }
0x4a: {  	_ =	shalt  }
0x4b: {  	_ =	shalt  }
0x4c: {  	_ =	shalt  }
0x4d: {  	_ =	shalt  }
0x4e: {  	_ =	shalt  }
0x4f: {  	_ =	shalt  }
0x50: {  	_ =	shalt  }
0x51: {  	_ =	shalt  }
0x52: {  	_ =	shalt  }
0x53: {  	_ =	shalt  }
0x54: {  	_ =	shalt  }
0x55: {  	_ =	shalt  }
0x56: {  	_ =	shalt  }
0x57: {  	_ =	shalt  }
0x58: {  	_ =	shalt  }
0x59: {  	_ =	shalt  }
0x5a: {  	_ =	shalt  }
0x5b: {  	_ =	shalt  }
0x5c: {  	_ =	shalt  }
0x5d: {  	_ =	shalt  }
0x5e: {  	_ =	shalt  }
0x5f: {  	_ =	shalt  }
0x60: {  	_ =	shalt  }
0x61: {  	_ =	shalt  }
0x62: {  	_ =	shalt  }
0x63: {  	_ =	shalt  }
0x64: {  	_ =	shalt  }
0x65: {  	_ =	shalt  }
0x66: {  	_ =	shalt  }
0x67: {  	_ =	shalt  }
0x68: {  	_ =	shalt  }
0x69: {  	_ =	shalt  }
0x6a: {  	_ =	shalt  }
0x6b: {  	_ =	shalt  }
0x6c: {  	_ =	shalt  }
0x6d: {  	_ =	shalt  }
0x6e: {  	_ =	shalt  }
0x6f: {  	_ =	shalt  }
0x70: {  	_ =	shalt  }
0x71: {  	_ =	shalt  }
0x72: {  	_ =	shalt  }
0x73: {  	_ =	shalt  }
0x74: {  	_ =	shalt  }
0x75: {  	_ =	shalt  }
0x76: {  	_ =	shalt  }
0x77: {  	_ =	shalt  }
0x78: {  	_ =	shalt  }
0x79: {  	_ =	shalt  }
0x7a: {  	_ =	shalt  }
0x7b: {  	_ =	shalt  }
0x7c: {  	_ =	shalt  }
0x7d: {  	_ =	shalt  }
0x7e: {  	_ =	shalt  }
0x7f: {  	_ =	shalt  }
0x80: {  	_ =	shalt  }
0x81: {  	_ =	shalt  }
0x82: {  	_ =	shalt  }
0x83: {  	_ =	shalt  }
0x84: {  	_ =	shalt  }
0x85: {  	_ =	shalt  }
0x86: {  	_ =	shalt  }
0x87: {  	_ =	shalt  }
.Lfunc_end0:
.L_simem_size_0:
called_computation_lowered:
.L_overlay_start_0:
0x88: {  	s2 =	sld [smem:$0x3FD9]  }
0x89: {  	s3 =	sld [smem:$0x3FFE];
	_ =	sdelay $0x1  }
0x8a: {  	s1 =	srdreg.scid  }
0x8b: {  	s0 =	sand.u32 $0x1, s1  }
0x8c: {  	s18 =	sshll.u32 s0, $0xA;
	s2 =	sadd.s32 s3, s2  }
0x8d: {  	s2 =	sadd.s32 s2, s18  }
0x8e: {  	[smem:$0x3FC7] =	sst s2  }
0x8f: {  	_ = 	snop  }
0x90: {  	s2 =	sld [smem:$0x3FC9]  }
0x91: {  	s19 =	sld [smem:$0x3FD0];
	(tm) =	ssettm $0x1  }
0x92: {  	s4 =	sld [smem:$0x3FFB];
	_ =	sdelay $0x3  }
0x93: {  	_ =	strace s4  }
0x94: {  	s4 =	sld [smem:$0x3FFC];
	_ =	sdelay $0x3  }
0x95: {  	_ =	strace s4  }
0x96: {  	s4 =	sld [smem:$0x3FFD];
	_ =	sdelay $0x3  }
0x97: {  	_ =	strace s4  }
0x98: {  	_ =	strace $0x8FFFFFFF  }
0x99: {  	s20 =	sld [smem:$0x3FDB];
	_ =	sdelay $0x1  }
0x9a: {  	s5 =	simm.s32 $_scs_section_size  }
0x9b: {  	s6 =	simm.s32 $_size__tile_overlayer_lowered;
	s7 =	simm.s32 $_tile_overlayer_lowered  }
0x9c: {  	s23 =	simm.s32 $0x1BFF;
	s22 =	sshll.u32 s7, $0x1;
	s4 =	sadd.s32 s5, s20  }
0x9d: {  	s8 =	simm.s32 $0x0;
	s21 =	sshll.u32 s6, $0x1;
	s6 =	sadd.s32 s22, s4  }
0x9e: {  	[timem:s8], [sflag:s23] =	dma.local [hbm:s6], s21  }
0x9f: {  	_ =	swait.ge [sflag:s23], s21  }
0xa0: {  	s5 =	ssub.s32 $0x0, s21;
	[sflag:s23] =	ssyncset.done $0x0  }
0xa1: {  	[sflag:s23] =	ssyncadd.s32 s5;
	_ =	sdelay $0x1  }
0xa2: {  	s24 =	simm.s32 $0x1B8B  }
0xa3: {  	_ =	swait.ge [sflag:s24], $0x1  }
0xa4: {  	[sflag:s24] =	ssyncset.done $0x0  }
0xa5: {  	s25 =	simm.s32 $0x1B8E;
	[sflag:s24] =	ssyncadd.s32 $0xFFFFFFFF  }
0xa6: {  	s26 =	simm.s32 $execute0_lowered;
	[smem:$0x3FD2] =	sst s25  }
0xa7: {  	s5 =	sshll.u32 s26, $0x1;
	_ =	strace $0x80000046;
	[dreg:$0x1] =	wrdreg $0xFFFFFFFF  }
0xa8: {  	s28 =	simm.s32 $_size_execute0_lowered;
	s4 =	sadd.s32 s4, s5;
	[dreg:$0x0] =	wrdreg $0x0  }
0xa9: {  	s5 =	sshll.u32 s28, $0x1;
	[dreg:$0x2] =	wrdreg s4  }
0xaa: {  	[dreg:$0x3] =	wrdreg s5  }
0xab: {  	[dreg:$0x4] =	wrdreg $0xC0  }
0xac: {  	_ =	task [dreg:s8], $0x5FFFF  }
0xad: {  	[dreg:$0x1] =	wrdreg $0xFFFFFFFF  }
0xae: {  	[dreg:$0x0] =	wrdreg $0x60  }
0xaf: {  	[dreg:$0x2] =	wrdreg s2  }
0xb0: {  	[dreg:$0x3] =	wrdreg s19  }
0xb1: {  	[dreg:$0x4] =	wrdreg $0x9  }
0xb2: {  	_ =	task.clear_ibuf [dreg:s8], $0x5FFFF;
	_ =	strace $0x90000046  }
0xb3: {  	s29 =	simm.s32 $0x9;
	_ =	strace $0x80000048  }
0xb4: {  	_ =	swait.ge [sflag:s29], $0x1  }
0xb5: {  	[sflag:s29] =	ssyncadd.s32 $0xFFFFFFFF  }
0xb6: {  	_ =	strace $0x90000048  }
0xb7: {  	_ =	sfence  }
0xb8: {  	s30 =	sld [smem:$0x0];
	_ =	sdelay $0x2  }
0xb9: {  	s31 =	sshll.u32 s1, $0xD;
	s1 =	sshrl.u32 s1, $0x2  }
0xba: {  	s3 =	sand.u32 $0x4000, s31;
	s1 =	sadd.s32 s1, s30  }
0xbb: {  	s0 =	sor.u32 s3, s0;
	s1 =	sshll.u32 s1, $0x11  }
0xbc: {  	s0 =	sor.u32 s1, s0  }
0xbd: {  	s0 =	sadd.s32 $0x8F2B, s0  }
0xbe: {  	[sflag:s0] =	ssyncadd.remote.s32 $0x1  }
0xbf: {  	_ =	sfence.sel $0xFFFF  }
0xc0: {  	[dreg:$0x0] =	wrdreg $0xFFFFFFFF;
	(pc) =	sbr.abs _section_cstart, $3  }
0xc1: {  	[dreg:$0x1] =	wrdreg $0xFFFFFFFF  }
0xc2: {  	_ =	task.clear_ibuf [dreg:s8], $0x2FFFF;
	_ =	strace $0x9FFFFFFF  }
0xc3: {  	(tm) =	ssettm $0x7FFFFFFF  }
tec
execute0_lowered:
.L_overlay_start_1:
0x0: {  	(tag) =	ssettag $0x1  }
0x1: {  	s15 =	rddreg [dreg:$0x0]  }
0x2: {  	s14 =	rddreg [dreg:$0x1];
	s2 =	srdreg.scid  }
0x3: {  	s1 =	stileid.u32;
	s0 =	rddreg [dreg:$0x2];
	s20 =	simm.s32 $0x7A1400  }
0x4: {  	s21 =	simm.s32 $0xA000;
	s22 =	simm.s32 $0x1;
	s23 =	simm.s32 $0x2  }
0x5: {  	s24 =	simm.s32 $0x4;
	s25 =	simm.s32 $0x5;
	s26 =	simm.s32 $0x0  }
0x6: {  	s13 =	sand.u32 $0x1, s2;
	s3 =	sshll.u32 s1, $0x1;
	s2 =	simm.s32 $0x0  }
0x7: {  	s7 =	sadd.s32 $0xF4100, s14;
	s8 =	sadd.s32 $0xF4200, s14;
	s18 =	smul.u32 $0xA00, s1  }
0x8: {  	s4 =	ssub.s32 $0x2, s13;
	s16 =	sor.u32 s13, s3;
	[smem:$0x7FF] =	sst s2  }
0x9: {  	s3 =	sadd.s32 $0xF4100, s15;
	s19 =	smul.u32 $0x500, s13;
	s31 =	sshrl.u32 s4, $0x1  }
0xa: {  	s12 =	smul.u32 $0x500, s16;
	_ =	strace $0x80000047;
	p0 =	sgt.u32 s16, $0xC  }
0xb: {  	s9 =	ssub.s32 s4, s31;
	s4 =	sadd.s32 $0xF4200, s15;
	p3 =	seq.s32 @p0 s16, $0xE  }
0xc: {  	s6 =	sor.u32 $0xF0000, s12;
	s9 =	smax.u32 s9, $0x1;
	s10 =	sadd.s32 s15, s12  }
0xd: {  	s17 =	sadd.s32 $0xA000, s12;
	p1 =	por p3, !p0;
	s12 =	sadd.s32 s14, s12  }
0xe: {  	p2 =	por !p3, !p0;
	s5 =	sadd.s32 s15, s6;
	s6 =	sadd.s32 s14, s6  }
0xf: {  	s11 =	sadd.s32 s15, s17;
	p4 =	sne.s32 @!p1 s16, $0xD;
	s13 =	sadd.s32 s14, s17  }
0x10: {  	s14 =	sadd.s32 s18, s14;
	s15 =	sadd.s32 s18, s15;
	p1 =	por @p0 p4, p3  }
0x11: {  	s14 =	sadd.s32 s19, s14;
	s15 =	sadd.s32 s19, s15;
	p1 =	por p1, !p0  }
0x12: {  	p3 =	por @p0 !p4, p3;
	s19 =	simm.s32 $0x2800;
	s16 =	sadd.s32 @!p1 $0xF4280, s3  }
0x13: {  	p3 =	por !p3, !p0;
	s17 =	sadd.s32 @!p1 $0x1E8500, s3;
	s18 =	sadd.s32 @!p1 $0x2DC780, s3  }
.LBB2_1:
0x14: {  	s28 =	simm.s32 @!p2 $0x400;
	s29 =	simm.s32 @!p2 $0x7A1400;
	s30 =	simm.s32 @!p2 $0x1E000  }
0x15: {  	[tilespmem:s30], [sflag:$0x3] =	stream.strided.gather @!p2 [hbm4b:s4+s28], $0x1000, s29, s28, $0x38;
	[tilespmem:$0x1F000] =	vst v63  }
0x16: {  	s28 =	simm.s32 @!p1 $0x0;
	s29 =	simm.s32 @!p1 $0x14000  }
0x17: {  	[tilespmem:s29], [sflag:$0x3] =	stream.linear.gather @!p1 [hbm4b:s3+s28], $0x800, $0x38;
	[tilespmem:$0x1F000] =	vst v63  }
0x18: {  	s29 =	simm.s32 @!p1 $0x16800  }
0x19: {  	[tilespmem:s29], [sflag:$0x3] =	stream.linear.gather @!p1 [hbm4b:s16+s28], $0x800, $0x38;
	[tilespmem:$0x1F000] =	vst v63  }
0x1a: {  	s29 =	simm.s32 @!p1 $0x19000  }
0x1b: {  	[tilespmem:s29], [sflag:$0x3] =	stream.linear.gather @!p1 [hbm4b:s17+s28], $0x800, $0x38;
	[tilespmem:$0x1F000] =	vst v63  }
0x1c: {  	s29 =	simm.s32 @!p1 $0x1B800  }
0x1d: {  	[tilespmem:s29], [sflag:$0x3] =	stream.linear.gather @!p1 [hbm4b:s18+s28], $0x800, $0x38;
	[tilespmem:$0x1F000] =	vst v63  }
0x1e: {  	s30 =	simm.s32 @!p0 $0x14000;
	s28 =	simm.s32 @!p0 $0x2800;
	s29 =	simm.s32 @!p0 $0x7A1400  }
0x1f: {  	[tilespmem:s30], [sflag:$0x3] =	stream.strided.gather @!p0 [hbm4b:s5+s28], $0xA000, s29, s28, $0x38;
	[tilespmem:$0x1F000] =	vst v63  }
0x20: {  	_ = 	snop  }
0x21: {  	[tilespmem:s2], [sflag:$0x1] =	stream.strided.gather [hbm4b:s10+s19], $0xA000, s20, s19, $0x38;
	[tilespmem:$0x1F000] =	vst v63  }
0x22: {  	_ = 	snop  }
0x23: {  	[tilespmem:s21], [sflag:$0x2] =	stream.strided.gather [hbm4b:s11+s19], $0xA000, s20, s19, $0x38;
	[tilespmem:$0x1F000] =	vst v63  }
0x24: {  	_ =	swait.ge [sflag:s22], $0xA000  }
0x25: {  	[sflag:s22] =	ssyncset.done $0x0  }
0x26: {  	[sflag:s22] =	ssyncadd.s32 $0xFFFF6000  }
0x27: {  	[hbm4b:s12+s19] =	stream.strided.scatter [tilespmem:s2], [sflag:$0x4], $0xA000, s20, s19, $0x38;
	[tilespmem:$0x1F000] =	vst v63  }
0x28: {  	_ =	swait.ge [sflag:s23], $0xA000  }
0x29: {  	[sflag:s23] =	ssyncset.done $0x0  }
0x2a: {  	[sflag:s23] =	ssyncadd.s32 $0xFFFF6000  }
0x2b: {  	[hbm4b:s13+s19] =	stream.strided.scatter [tilespmem:s21], [sflag:$0x5], $0xA000, s20, s19, $0x38;
	[tilespmem:$0x1F000] =	vst v63  }
0x2c: {  	_ =	swait.ge [sflag:s24], $0xA000  }
0x2d: {  	s28 =	sadd.s32 $0x0, s15;
	[sflag:s24] =	ssyncset.done $0x0  }
0x2e: {  	s29 =	sadd.s32 $0x14000, s28;
	[sflag:s24] =	ssyncadd.s32 $0xFFFF6000  }
0x2f: {  	[tilespmem:s2], [sflag:$0x1] =	stream.strided.gather [hbm4b:s29+s19], $0xA000, s20, s19, $0x38;
	[tilespmem:$0x1F000] =	vst v63  }
0x30: {  	p6 =	por @!p1 $0x0, $0x0;
	p4 =	por @p0 $0x0, $0x0;
	_ =	swait.ge [sflag:s25], $0xA000  }
0x31: {  	p5 =	por @p0 $0x0, $0x0;
	p4 =	por @!p3 p6, p6;
	[sflag:s25] =	ssyncset.done $0x0  }
0x32: {  	p6 =	por @!p1 $0x1, $0x1;
	s28 =	sadd.s32 $0x1E000, s28;
	[sflag:s25] =	ssyncadd.s32 $0xFFFF6000  }
0x33: {  	[tilespmem:s21], [sflag:$0x2] =	stream.strided.gather [hbm4b:s28+s19], $0xA000, s20, s19, $0x38;
	[tilespmem:$0x1F000] =	vst v63  }
0x34: {  	p5 =	por @!p3 p6, p6;
	p6 =	por @!p2 $0x1, $0x1;
	_ =	swait.ge [sflag:s22], $0xA000  }
0x35: {  	p4 =	por @!p2 p6, p6;
	s29 =	sadd.s32 $0x0, s14;
	[sflag:s22] =	ssyncset.done $0x0  }
0x36: {  	p6 =	por @!p2 $0x0, $0x0;
	s28 =	sadd.s32 $0x14000, s29;
	[sflag:s22] =	ssyncadd.s32 $0xFFFF6000  }
0x37: {  	[hbm4b:s28+s19] =	stream.strided.scatter [tilespmem:s2], [sflag:$0x4], $0xA000, s20, s19, $0x38;
	[tilespmem:$0x1F000] =	vst v63  }
0x38: {  	p5 =	por @!p2 p6, p6;
	p6 =	por @!p0 $0x0, $0x0;
	_ =	swait.ge [sflag:s23], $0xA000  }
0x39: {  	p4 =	por @!p0 p6, p6;
	p5 =	por @!p0 p6, p6;
	[sflag:s23] =	ssyncset.done $0x0  }
0x3a: {  	s29 =	sadd.s32 $0x1E000, s29;
	s28 =	simm.s32 $0x14000;
	[sflag:s23] =	ssyncadd.s32 $0xFFFF6000  }
.LBB2_2:
0x3b: {  	[hbm4b:s29+s19] =	stream.strided.scatter [tilespmem:s21], [sflag:$0x5], $0xA000, s20, s19, $0x38;
	[tilespmem:$0x1F000] =	vst v63  }
0x3c: {  	s29 =	smov.u32 s28  }
0x3d: {  	p6 =	sne.s32 s28, $0xC8000;
	s28 =	sadd.s32 $0x14000, s28;
	_ =	swait.ge [sflag:s24], $0xA000  }
0x3e: {  	s30 =	sadd.s32 s29, s15;
	[sflag:s24] =	ssyncset.done $0x0  }
0x3f: {  	s31 =	sadd.s32 $0x14000, s30;
	[sflag:s24] =	ssyncadd.s32 $0xFFFF6000  }
0x40: {  	[tilespmem:s2], [sflag:$0x1] =	stream.strided.gather [hbm4b:s31+s19], $0xA000, s20, s19, $0x38;
	[tilespmem:$0x1F000] =	vst v63  }
0x41: {  	_ =	swait.ge [sflag:s25], $0xA000  }
0x42: {  	[sflag:s25] =	ssyncset.done $0x0  }
0x43: {  	s30 =	sadd.s32 $0x1E000, s30;
	[sflag:s25] =	ssyncadd.s32 $0xFFFF6000  }
0x44: {  	[tilespmem:s21], [sflag:$0x2] =	stream.strided.gather [hbm4b:s30+s19], $0xA000, s20, s19, $0x38;
	[tilespmem:$0x1F000] =	vst v63  }
0x45: {  	_ =	swait.ge [sflag:s22], $0xA000  }
0x46: {  	s29 =	sadd.s32 s29, s14;
	[sflag:s22] =	ssyncset.done $0x0  }
.Ltmp0:
0x47: {  	s30 =	sadd.s32 $0x14000, s29;
	[sflag:s22] =	ssyncadd.s32 $0xFFFF6000;
	(pc) =	sbr.rel @p6 .LBB2_2-.Ltmp0, $4  }
0x48: {  	[hbm4b:s30+s19] =	stream.strided.scatter [tilespmem:s2], [sflag:$0x4], $0xA000, s20, s19, $0x38;
	[tilespmem:$0x1F000] =	vst v63  }
0x49: {  	_ =	swait.ge [sflag:s23], $0xA000  }
0x4a: {  	[sflag:s23] =	ssyncset.done $0x0  }
0x4b: {  	s29 =	sadd.s32 $0x1E000, s29;
	[sflag:s23] =	ssyncadd.s32 $0xFFFF6000  }
0x4c: {  	[hbm4b:s29+s19] =	stream.strided.scatter [tilespmem:s21], [sflag:$0x5], $0xA000, s20, s19, $0x38;
	[tilespmem:$0x1F000] =	vst v63  }
0x4d: {  	_ =	swait.ge [sflag:s24], $0xA000  }
0x4e: {  	[sflag:s24] =	ssyncset.done $0x0  }
0x4f: {  	[sflag:s24] =	ssyncadd.s32 $0xFFFF6000  }
0x50: {  	_ =	swait.ge [sflag:s25], $0xA000  }
0x51: {  	[sflag:s25] =	ssyncset.done $0x0  }
0x52: {  	s28 =	simm.s32 @!p0 $0x3;
	[sflag:s25] =	ssyncadd.s32 $0xFFFF6000  }
0x53: {  	_ =	swait.ge @!p0 [sflag:s28], $0xA000  }
0x54: {  	s29 =	simm.s32 @!p0 $0x7A1400;
	[sflag:s28] =	ssyncset.done @!p0 $0x0  }
0x55: {  	s30 =	simm.s32 @!p0 $0x14000;
	[sflag:s28] =	ssyncadd.s32 @!p0 $0xFFFF6000;
	s28 =	simm.s32 @!p0 $0x2800  }
0x56: {  	[hbm4b:s6+s28] =	stream.strided.scatter @!p0 [tilespmem:s30], [sflag:$0x6], $0xA000, s29, s28, $0x38;
	[tilespmem:$0x1F000] =	vst v63  }
0x57: {  	s28 =	simm.s32 @!p0 $0x6  }
0x58: {  	_ =	swait.ge @!p0 [sflag:s28], $0xA000  }
0x59: {  	[sflag:s28] =	ssyncset.done @!p0 $0x0  }
0x5a: {  	[sflag:s28] =	ssyncadd.s32 @!p0 $0xFFFF6000;
	s28 =	simm.s32 @p5 $0x3  }
0x5b: {  	_ =	swait.ge @p5 [sflag:s28], $0x2000  }
0x5c: {  	[sflag:s28] =	ssyncset.done @p5 $0x0  }
0x5d: {  	s29 =	simm.s32 @p5 $0x14000;
	[sflag:s28] =	ssyncadd.s32 @p5 $0xFFFFE000;
	s28 =	simm.s32 @p5 $0x0  }
0x5e: {  	[hbm4b:s7+s28] =	stream.linear.scatter @p5 [tilespmem:s29], [sflag:$0x6], $0x800, $0x38;
	[tilespmem:$0x1F000] =	vst v63  }
0x5f: {  	s30 =	simm.s32 @p5 $0x16800;
	s29 =	sadd.s32 @p5 $0xF4280, s7  }
0x60: {  	[hbm4b:s29+s28] =	stream.linear.scatter @p5 [tilespmem:s30], [sflag:$0x6], $0x800, $0x38;
	[tilespmem:$0x1F000] =	vst v63  }
0x61: {  	s29 =	sadd.s32 @p5 $0x1E8500, s7;
	s30 =	simm.s32 @p5 $0x19000  }
0x62: {  	[hbm4b:s29+s28] =	stream.linear.scatter @p5 [tilespmem:s30], [sflag:$0x6], $0x800, $0x38;
	[tilespmem:$0x1F000] =	vst v63  }
0x63: {  	s29 =	sadd.s32 @p5 $0x2DC780, s7;
	s30 =	simm.s32 @p5 $0x1B800  }
0x64: {  	[hbm4b:s29+s28] =	stream.linear.scatter @p5 [tilespmem:s30], [sflag:$0x6], $0x800, $0x38;
	[tilespmem:$0x1F000] =	vst v63  }
0x65: {  	s28 =	simm.s32 @p5 $0x6  }
0x66: {  	_ =	swait.ge @p5 [sflag:s28], $0x2000  }
0x67: {  	[sflag:s28] =	ssyncset.done @p5 $0x0  }
0x68: {  	[sflag:s28] =	ssyncadd.s32 @p5 $0xFFFFE000;
	s28 =	simm.s32 @p4 $0x3  }
0x69: {  	s26 =	sadd.s32 $0x1, s26;
	_ =	swait.ge @p4 [sflag:s28], $0x1000  }
0x6a: {  	s29 =	simm.s32 @p4 $0x7A1400;
	s30 =	simm.s32 @p4 $0x1E000;
	[sflag:s28] =	ssyncset.done @p4 $0x0  }
0x6b: {  	p5 =	sne.s32 s26, s9;
	[sflag:s28] =	ssyncadd.s32 @p4 $0xFFFFF000;
	s28 =	simm.s32 @p4 $0x400  }
0x6c: {  	[hbm4b:s8+s28] =	stream.strided.scatter @p4 [tilespmem:s30], [sflag:$0x6], $0x1000, s29, s28, $0x38;
	[tilespmem:$0x1F000] =	vst v63  }
.Ltmp1:
0x6d: {  	_ = 	snop;
	(pc) =	sbr.rel @p5 .LBB2_1-.Ltmp1, $4  }
0x6e: {  	s28 =	simm.s32 @p4 $0x6  }
0x6f: {  	_ =	swait.ge @p4 [sflag:s28], $0x1000  }
0x70: {  	[sflag:s28] =	ssyncset.done @p4 $0x0  }
0x71: {  	[sflag:s28] =	ssyncadd.s32 @p4 $0xFFFFF000  }
0x72: {  	_ =	sfence.sel $0x180000  }
0x73: {  	[bflag:$0x0] =	sbarrier.arrive $0xFFFF  }
0x74: {  	p0 =	sne.s32 s1, $0x0;
	_ =	strace $0x90000047  }
0x75: {  	s0 =	sadd.s32 @!p0 $0x100000, s0;
	[bflag:$0x2] =	sbarrier.arrive $0xFFFF  }
0x76: {  	[sflag:s0] =	ssyncadd.tile.s32 @!p0 $0x1;
	_ =	shalt  }
.Lfunc_end2:
_tile_overlayer_lowered:
.L_overlay_start_2:
0x77: {  	(tag) =	ssettag $0x2  }
0x78: {  	s0 =	rddreg [dreg:$0x0];
	s2 =	stileid.u32  }
0x79: {  	s1 =	rddreg [dreg:$0x1];
	p0 =	sne.s32 s2, $0x0  }
0x7a: {  	s3 =	rddreg [dreg:$0x2];
	[bflag:$0x3] =	sbarrier.arrive $0xFFFF;
	s2 =	simm.s32 @!p0 $0x1C07  }
0x7b: {  	[timem:s3], [sflag:s2] =	dma.local @!p0 [hbm:s0], s1  }
0x7c: {  	s0 =	simm.s32 @!p0 $0x7  }
0x7d: {  	_ =	swait.ge @!p0 [sflag:s0], s1  }
0x7e: {  	s1 =	ssub.s32 @!p0 $0x0, s1;
	[sflag:s0] =	ssyncset.done @!p0 $0x0  }
0x7f: {  	[sflag:s0] =	ssyncadd.s32 @!p0 s1  }
0x80: {  	[bflag:$0x3] =	sbarrier.arrive $0xFFFF  }
0x81: {  	_ =	shalt  }

</sc_bundles>
